<compile_context>
chip_gen: v7x
topology: tpu7x:2x2x1
jax: 0.10.2.dev20260603
libtpu: 0.0.44.dev20260713+nightly
codegen_flags: <defaults>
</compile_context>

<pallas_src>
import functools

import jax
import jax.numpy as jnp
from jax import lax
from jax.experimental import pallas as pl
from jax.experimental.pallas import tpu as pltpu
from jax.experimental.pallas import tpu_sc as plsc

NEG_RATIO = 3
INT_MIN32 = -2147483648


def _gather_kernel(B, C, A):
    NC, NS, L = 2, 16, 16
    NW = NC * NS
    CH = (B // NW) * A
    assert CH % L == 0 and CH % 8 == 0
    mesh = plsc.VectorSubcoreMesh(core_axis_name="c", subcore_axis_name="s")

    @functools.partial(
        pl.kernel, mesh=mesh,
        out_type=jax.ShapeDtypeStruct((B * A,), jnp.float32),
        scratch_types=[
            pltpu.VMEM((CH,), jnp.int32),
            pltpu.VMEM((CH,), jnp.int32),
            pltpu.VMEM((CH,), jnp.float32),
            pltpu.SemaphoreType.DMA,
        ],
    )
    def k(lt_hbm, cst_hbm, li_hbm, out_hbm, idx_v, cst_v, rows_v, sem):
        wid = lax.axis_index("s") * NC + lax.axis_index("c")
        base = wid * CH
        pltpu.sync_copy(lt_hbm.at[pl.ds(base, CH)], idx_v)
        pltpu.sync_copy(cst_hbm.at[pl.ds(base, CH)], cst_v)

        def body(i, carry):
            e0 = i * L
            idx_v[pl.ds(e0, L)] = cst_v[pl.ds(e0, L)] + idx_v[pl.ds(e0, L)] * A
            return carry

        lax.fori_loop(0, CH // L, body, 0)
        pltpu.async_copy(li_hbm.at[idx_v], rows_v, sem).wait()
        pltpu.sync_copy(rows_v, out_hbm.at[pl.ds(base, CH)])

    return k


def _ssd_body(lt_ref, g_ref, bi_ref, bt_ref, p4_ref, out_ref):
    R, A = lt_ref.shape

    tt = lt_ref[...]
    pos = tt > 0
    posf = pos.astype(jnp.float32)
    npos_row = jnp.sum(posf, axis=1, keepdims=True)

    d = bi_ref[...] - bt_ref[...]
    ad = jnp.abs(d)
    sl1 = jnp.where(ad < 1.0, 0.5 * d * d, ad - 0.5)
    m4 = p4_ref[...]
    bbox_row = jnp.sum(sl1 * m4, axis=1, keepdims=True)

    ll = -g_ref[...]

    masked = jnp.where(pos, 0.0, -ll)
    b = lax.bitcast_convert_type(masked, jnp.int32)
    keys = jnp.where(b >= 0, b, INT_MIN32 - b)

    K = jnp.minimum(
        NEG_RATIO * jnp.sum(pos.astype(jnp.int32), axis=1, keepdims=True),
        A).astype(jnp.int32)

    lo0 = jnp.full((R, 1), INT_MIN32, jnp.int32)
    hi0 = jnp.full((R, 1), 2**31 - 1, jnp.int32)

    def bisect(_, carry):
        lo, hi = carry
        mid = lo + lax.shift_right_logical(hi - lo, 1)
        cnt = jnp.sum((keys <= mid).astype(jnp.int32), axis=1, keepdims=True)
        take = cnt >= K
        return jnp.where(take, lo, mid + 1), jnp.where(take, mid, hi)

    _, thresh = lax.fori_loop(0, 32, bisect, (lo0, hi0))

    below = keys < thresh
    cnt_below = jnp.sum(below.astype(jnp.int32), axis=1, keepdims=True)
    sum_below = jnp.sum(jnp.where(below & ~pos, ll, 0.0), axis=1, keepdims=True)
    tb = jnp.where(thresh >= 0, thresh, INT_MIN32 - thresh)
    tf = lax.bitcast_convert_type(tb, jnp.float32)
    neg_sum = sum_below + (K - cnt_below).astype(jnp.float32) * (-tf)
    neg_sum = jnp.where(K > 0, neg_sum, 0.0)

    label_row = jnp.sum(ll * posf, axis=1, keepdims=True) + neg_sum

    col = lax.broadcasted_iota(jnp.int32, (R, 128), 1)
    out_ref[...] = (jnp.where(col == 0, bbox_row, 0.0)
                    + jnp.where(col == 1, label_row, 0.0)
                    + jnp.where(col == 2, npos_row, 0.0))


def kernel(bbox_input, label_input, bbox_target, label_target):
    B, C, A = label_input.shape
    R = 8
    lt = label_target.astype(jnp.int32)

    e = jnp.arange(B * A, dtype=jnp.int32)
    cst = e + (e // A) * ((C - 1) * A)

    g = _gather_kernel(B, C, A)(
        lt.reshape(B * A), cst, label_input.reshape(B * C * A))
    g = g.reshape(B, A)

    pos4 = jnp.broadcast_to((lt > 0)[:, :, None], (B, A, 4))
    pos4 = pos4.reshape(B, 4 * A).astype(jnp.float32)
    bi2 = bbox_input.reshape(B, 4 * A)
    bt2 = bbox_target.reshape(B, 4 * A)

    stats = pl.pallas_call(
        _ssd_body,
        grid=(B // R,),
        in_specs=[
            pl.BlockSpec((R, A), lambda i: (i, 0)),
            pl.BlockSpec((R, A), lambda i: (i, 0)),
            pl.BlockSpec((R, 4 * A), lambda i: (i, 0)),
            pl.BlockSpec((R, 4 * A), lambda i: (i, 0)),
            pl.BlockSpec((R, 4 * A), lambda i: (i, 0)),
        ],
        out_specs=pl.BlockSpec((R, 128), lambda i: (i, 0)),
        out_shape=jax.ShapeDtypeStruct((B, 128), jnp.float32),
    )(lt, g, bi2, bt2, pos4)

    num_pos = jnp.sum(stats[:, 2])
    return (jnp.sum(stats[:, 0]) + jnp.sum(stats[:, 1])) / num_pos

# --- scband reference (transcript-rebuilt; emitter-appended) ---
"""Pipeline reference for scband-ssdloss-18313740550545 (READ-ONLY COPY).

The authoritative reference and input builder live on the scoring server;
editing this copy changes nothing except your own understanding.
"""

import jax, jax.numpy as jnp
import numpy as np

ALPHA = 1.0
NEG_RATIO = 3


def setup_inputs(seed: int = 0) -> dict:
    key = jax.random.key(seed)
    k1, k2, k3, k4 = jax.random.split(key, 4)
    B, A, C = 128, 8732, 21
    bbox_input = jax.random.normal(k1, (B, A, 4), dtype=jnp.float32)
    label_input = jax.random.normal(k2, (B, C, A), dtype=jnp.float32)
    bbox_target = jax.random.normal(k3, (B, A, 4), dtype=jnp.float32)
    label_target = jax.random.randint(k4, (B, A), 0, C, dtype=jnp.int64)
    return {
        'bbox_input': bbox_input,
        'label_input': label_input,
        'bbox_target': bbox_target,
        'label_target': label_target,
    }


def reference(bbox_input, label_input, bbox_target, label_target):
    positive = label_target > 0  # [B, A] bool
    num_positive = jnp.sum(positive).astype(jnp.float32)

    # smooth L1 over positive anchors only (size_average=False -> sum), / num_positive
    diff = bbox_input - bbox_target
    ad = jnp.abs(diff)
    sl1 = jnp.where(ad < 1.0, 0.5 * diff * diff, ad - 0.5)
    bbox_loss = jnp.sum(sl1 * positive[:, :, None].astype(jnp.float32)) / num_positive

    # per-anchor NLL loss: label_input is [B, C, A] log-probs, target [B, A]
    gathered = jnp.take_along_axis(label_input, label_target[:, None, :], axis=1)  # [B, 1, A]
    label_loss = -gathered[:, 0, :]  # [B, A]

    # hard negative mining
    masked = label_loss * (positive.astype(jnp.float32) - 1.0)  # 0 on positives, -loss on negatives
    idx = jnp.argsort(masked, axis=1)
    rank = jnp.argsort(idx, axis=1)
    num_negative = NEG_RATIO * jnp.sum(positive.astype(jnp.int32), axis=1)  # [B]
    negative = rank < num_negative[:, None]

    keep = jnp.logical_or(positive, negative).astype(jnp.float32)
    label_loss_sum = jnp.sum(label_loss * keep) / num_positive

    return bbox_loss + ALPHA * label_loss_sum

if __name__ == "__main__":
    import jax
    _d = setup_inputs()
    print(jax.jit(kernel)(*tuple(_d.values())))

</pallas_src>

<mosaic_0001>
#map = affine_map<(d0, d1) -> (0)>
module attributes {stable_mosaic.version = 14 : i64} {
  func.func @k(%arg0: i32, %arg1: i32, %arg2: memref<1117696xi32, #tpu.memory_space<hbm>>, %arg3: memref<1117696xi32, #tpu.memory_space<hbm>>, %arg4: memref<23471616xf32, #tpu.memory_space<hbm>>, %arg5: memref<1117696xf32, #tpu.memory_space<hbm>>, %arg6: memref<34928xi32, #tpu.memory_space<vmem>>, %arg7: memref<34928xi32, #tpu.memory_space<vmem>>, %arg8: memref<34928xf32, #tpu.memory_space<vmem>>, %arg9: memref<!tpu.dma_semaphore, #tpu.memory_space<semaphore_mem>>) attributes {dimension_semantics = [#tpu.dimension_semantics<core_parallel>, #tpu.dimension_semantics<subcore_parallel>], iteration_bounds = array<i64: 2, 16>, scalar_prefetch = 0 : i64, scratch_operands = 4 : i64, tpu.core_type = #tpu.core_type<sc_vector_subcore>, window_params = [{transform_indices = #map}, {transform_indices = #map}, {transform_indices = #map}, {transform_indices = #map}]} {
    %mul3A = arith.constant 2 : i32
    %mul3A_0 = arith.muli %arg1, %mul3A : i32
    %add3A = arith.addi %mul3A_0, %arg0 : i32
    %mul3A_1 = arith.constant 34928 : i32
    %mul3A_2 = arith.muli %add3A, %mul3A_1 : i32
    "tpu.region"() ({
      %run_scoped3A = tpu.sem_alloc : memref<!tpu.dma_semaphore, #tpu.memory_space<semaphore_mem>>
      %dma_start3A_10 = tpu.memref_slice %arg2[%mul3A_2] : memref<1117696xi32, #tpu.memory_space<hbm>> -> memref<34928xi32, #tpu.memory_space<hbm>>
      %dma_start3A_11 = tpu.memref_slice %arg2[%mul3A_2] : memref<1117696xi32, #tpu.memory_space<hbm>> -> memref<34928xi32, #tpu.memory_space<hbm>>
      tpu.enqueue_dma source(%dma_start3A_11 : memref<34928xi32, #tpu.memory_space<hbm>>) target(%arg6 : memref<34928xi32, #tpu.memory_space<vmem>>) target_semaphore(%run_scoped3A : memref<!tpu.dma_semaphore, #tpu.memory_space<semaphore_mem>>)
      %dma_wait3A_12 = tpu.memref_slice %arg2[%mul3A_2] : memref<1117696xi32, #tpu.memory_space<hbm>> -> memref<34928xi32, #tpu.memory_space<hbm>>
      %dma_wait3A_13 = tpu.memref_slice %arg2[%mul3A_2] : memref<1117696xi32, #tpu.memory_space<hbm>> -> memref<34928xi32, #tpu.memory_space<hbm>>
      tpu.wait_dma2 semaphore(%run_scoped3A : memref<!tpu.dma_semaphore, #tpu.memory_space<semaphore_mem>>) src(%dma_wait3A_13 : memref<34928xi32, #tpu.memory_space<hbm>>) dst(%arg6 : memref<34928xi32, #tpu.memory_space<vmem>>)
      tpu.yield
    }) : () -> ()
    "tpu.region"() ({
      %run_scoped3A = tpu.sem_alloc : memref<!tpu.dma_semaphore, #tpu.memory_space<semaphore_mem>>
      %dma_start3A_10 = tpu.memref_slice %arg3[%mul3A_2] : memref<1117696xi32, #tpu.memory_space<hbm>> -> memref<34928xi32, #tpu.memory_space<hbm>>
      %dma_start3A_11 = tpu.memref_slice %arg3[%mul3A_2] : memref<1117696xi32, #tpu.memory_space<hbm>> -> memref<34928xi32, #tpu.memory_space<hbm>>
      tpu.enqueue_dma source(%dma_start3A_11 : memref<34928xi32, #tpu.memory_space<hbm>>) target(%arg7 : memref<34928xi32, #tpu.memory_space<vmem>>) target_semaphore(%run_scoped3A : memref<!tpu.dma_semaphore, #tpu.memory_space<semaphore_mem>>)
      %dma_wait3A_12 = tpu.memref_slice %arg3[%mul3A_2] : memref<1117696xi32, #tpu.memory_space<hbm>> -> memref<34928xi32, #tpu.memory_space<hbm>>
      %dma_wait3A_13 = tpu.memref_slice %arg3[%mul3A_2] : memref<1117696xi32, #tpu.memory_space<hbm>> -> memref<34928xi32, #tpu.memory_space<hbm>>
      tpu.wait_dma2 semaphore(%run_scoped3A : memref<!tpu.dma_semaphore, #tpu.memory_space<semaphore_mem>>) src(%dma_wait3A_13 : memref<34928xi32, #tpu.memory_space<hbm>>) dst(%arg7 : memref<34928xi32, #tpu.memory_space<vmem>>)
      tpu.yield
    }) : () -> ()
    %scan3A = arith.constant 0 : i32
    %scan3A_3 = arith.constant 0 : i32
    %scan3A_4 = arith.constant 2183 : i32
    %scan3A_5 = arith.addi %scan3A_3, %scan3A_4 : i32
    %scan3A_6 = arith.constant 1 : i32
    scf.for %scan3A_10 = %scan3A_3 to %scan3A_5 step %scan3A_6  : i32 {
      %mul3A_11 = arith.constant 16 : i32
      %mul3A_12 = arith.muli %scan3A_10, %mul3A_11 : i32
      %get3A = arith.index_cast %mul3A_12 : i32 to index
      %get3A_13 = tpu.vector_load %arg7[%get3A] {strides = array<i32>} : memref<34928xi32, #tpu.memory_space<vmem>>, vector<16xi32>,
      %get3A_14 = vector.shape_cast %get3A_13 : vector<16xi32> to vector<16xi32>
      %get3A_15 = arith.index_cast %mul3A_12 : i32 to index
      %get3A_16 = tpu.vector_load %arg6[%get3A_15] {strides = array<i32>} : memref<34928xi32, #tpu.memory_space<vmem>>, vector<16xi32>,
      %get3A_17 = vector.shape_cast %get3A_16 : vector<16xi32> to vector<16xi32>
      %mul3A_18 = arith.constant 8732 : i32
      %mul3A_19 = vector.broadcast %mul3A_18 : i32 to vector<16xi32>
      %mul3A_20 = arith.muli %get3A_17, %mul3A_19 : vector<16xi32>
      %add3A_21 = arith.addi %get3A_14, %mul3A_20 : vector<16xi32>
      %swap3A = arith.index_cast %mul3A_12 : i32 to index
      %swap3A_22 = tpu.vector_load %arg6[%swap3A] {strides = array<i32>} : memref<34928xi32, #tpu.memory_space<vmem>>, vector<16xi32>,
      %swap3A_23 = vector.shape_cast %swap3A_22 : vector<16xi32> to vector<16xi32>
      %swap3A_24 = vector.shape_cast %add3A_21 : vector<16xi32> to vector<16xi32>
      tpu.vector_store %arg6[%swap3A], %swap3A_24 {strides = array<i32>} : memref<34928xi32, #tpu.memory_space<vmem>>, vector<16xi32>,
    }
    %scan3A_7 = arith.constant 2183 : i32
    %dma_start3A = arith.constant 0 : i32
    %dma_start3A_8 = tpu.memref_slice %arg4[%dma_start3A] : memref<23471616xf32, #tpu.memory_space<hbm>> -> memref<23471616xf32, #tpu.memory_space<hbm>>
    tpu.enqueue_indirect_dma source(%dma_start3A_8 : memref<23471616xf32, #tpu.memory_space<hbm>>) target(%arg8 : memref<34928xf32, #tpu.memory_space<vmem>>) offsets(%arg6 : memref<34928xi32, #tpu.memory_space<vmem>>) semaphore(%arg9 : memref<!tpu.dma_semaphore, #tpu.memory_space<semaphore_mem>>)
    %dma_wait3A = arith.constant 0 : i32
    %dma_wait3A_9 = tpu.memref_slice %arg4[%dma_wait3A] : memref<23471616xf32, #tpu.memory_space<hbm>> -> memref<23471616xf32, #tpu.memory_space<hbm>>
    tpu.wait_indirect_dma semaphore(%arg9 : memref<!tpu.dma_semaphore, #tpu.memory_space<semaphore_mem>>) src(%dma_wait3A_9 : memref<23471616xf32, #tpu.memory_space<hbm>>) dst(%arg8 : memref<34928xf32, #tpu.memory_space<vmem>>)
    "tpu.region"() ({
      %run_scoped3A = tpu.sem_alloc : memref<!tpu.dma_semaphore, #tpu.memory_space<semaphore_mem>>
      %dma_start3A_10 = tpu.memref_slice %arg5[%mul3A_2] : memref<1117696xf32, #tpu.memory_space<hbm>> -> memref<34928xf32, #tpu.memory_space<hbm>>
      %dma_start3A_11 = tpu.memref_slice %arg5[%mul3A_2] : memref<1117696xf32, #tpu.memory_space<hbm>> -> memref<34928xf32, #tpu.memory_space<hbm>>
      tpu.enqueue_dma source(%arg8 : memref<34928xf32, #tpu.memory_space<vmem>>) target(%dma_start3A_11 : memref<34928xf32, #tpu.memory_space<hbm>>) target_semaphore(%run_scoped3A : memref<!tpu.dma_semaphore, #tpu.memory_space<semaphore_mem>>)
      %dma_wait3A_12 = tpu.memref_slice %arg5[%mul3A_2] : memref<1117696xf32, #tpu.memory_space<hbm>> -> memref<34928xf32, #tpu.memory_space<hbm>>
      %dma_wait3A_13 = tpu.memref_slice %arg5[%mul3A_2] : memref<1117696xf32, #tpu.memory_space<hbm>> -> memref<34928xf32, #tpu.memory_space<hbm>>
      tpu.wait_dma2 semaphore(%run_scoped3A : memref<!tpu.dma_semaphore, #tpu.memory_space<semaphore_mem>>) src(%arg8 : memref<34928xf32, #tpu.memory_space<vmem>>) dst(%dma_wait3A_13 : memref<34928xf32, #tpu.memory_space<hbm>>)
      tpu.yield
    }) : () -> ()
    return
  }
}

module attributes {stable_mosaic.version = 14 : i64} {
  func.func @_ssd_body(%arg0: i32, %arg1: memref<8x8732xi32, #tpu.memory_space<vmem>>, %arg2: memref<8x8732xf32, #tpu.memory_space<vmem>>, %arg3: memref<8x34928xf32, #tpu.memory_space<vmem>>, %arg4: memref<8x34928xf32, #tpu.memory_space<vmem>>, %arg5: memref<8x34928xf32, #tpu.memory_space<vmem>>, %arg6: memref<8x128xf32, #tpu.memory_space<vmem>>) attributes {dimension_semantics = [#tpu.dimension_semantics<arbitrary>], iteration_bounds = array<i64: 16>, scalar_prefetch = 0 : i64, scratch_operands = 0 : i64, tpu.core_type = #tpu.core_type<tc>, window_params = [{transform_indices = @transform_0, window_bounds = array<i64: 8, 8732>}, {transform_indices = @transform_1, window_bounds = array<i64: 8, 8732>}, {transform_indices = @transform_2, window_bounds = array<i64: 8, 34928>}, {transform_indices = @transform_3, window_bounds = array<i64: 8, 34928>}, {transform_indices = @transform_4, window_bounds = array<i64: 8, 34928>}, {transform_indices = @transform_5, window_bounds = array<i64: 8, 128>}]} {
    %get3A = arith.constant 0 : index
    %get3A_0 = arith.constant 0 : index
    %get3A_1 = vector.load %arg1[%get3A, %get3A_0] : memref<8x8732xi32, #tpu.memory_space<vmem>>, vector<8x8732xi32>
    %gt3A = arith.constant 0 : i32
    %gt3A_2 = vector.broadcast %gt3A : i32 to vector<8x8732xi32>
    %gt3A_3 = arith.cmpi sgt, %get3A_1, %gt3A_2 : vector<8x8732xi32>
    %convert_element_type3A = arith.extui %gt3A_3 : vector<8x8732xi1> to vector<8x8732xi32>
    %convert_element_type3A_4 = arith.sitofp %convert_element_type3A : vector<8x8732xi32> to vector<8x8732xf32>
    %reduce_sum3A = arith.constant dense<0.000000e+00> : vector<8xf32>
    %reduce_sum3A_5 = vector.multi_reduction <add>, %convert_element_type3A_4, %reduce_sum3A [1] : vector<8x8732xf32> to vector<8xf32>
    %broadcast_in_dim3A = vector.shape_cast %reduce_sum3A_5 : vector<8xf32> to vector<8x1xf32>
    %get3A_6 = arith.constant 0 : index
    %get3A_7 = arith.constant 0 : index
    %get3A_8 = vector.load %arg3[%get3A_6, %get3A_7] : memref<8x34928xf32, #tpu.memory_space<vmem>>, vector<8x34928xf32>
    %get3A_9 = arith.constant 0 : index
    %get3A_10 = arith.constant 0 : index
    %get3A_11 = vector.load %arg4[%get3A_9, %get3A_10] : memref<8x34928xf32, #tpu.memory_space<vmem>>, vector<8x34928xf32>
    %sub3A = arith.subf %get3A_8, %get3A_11 : vector<8x34928xf32>
    %abs3A = math.absf %sub3A : vector<8x34928xf32>
    %lt3A = arith.constant 1.000000e+00 : f32
    %lt3A_12 = vector.broadcast %lt3A : f32 to vector<8x34928xf32>
    %lt3A_13 = arith.cmpf olt, %abs3A, %lt3A_12 : vector<8x34928xf32>
    %mul3A = arith.constant 5.000000e-01 : f32
    %mul3A_14 = vector.broadcast %mul3A : f32 to vector<8x34928xf32>
    %mul3A_15 = arith.mulf %mul3A_14, %sub3A : vector<8x34928xf32>
    %mul3A_16 = arith.mulf %mul3A_15, %sub3A : vector<8x34928xf32>
    %sub3A_17 = arith.constant 5.000000e-01 : f32
    %sub3A_18 = vector.broadcast %sub3A_17 : f32 to vector<8x34928xf32>
    %sub3A_19 = arith.subf %abs3A, %sub3A_18 : vector<8x34928xf32>
    %select_n3A = arith.select %lt3A_13, %mul3A_16, %sub3A_19 : vector<8x34928xi1>, vector<8x34928xf32>
    %get3A_20 = arith.constant 0 : index
    %get3A_21 = arith.constant 0 : index
    %get3A_22 = vector.load %arg5[%get3A_20, %get3A_21] : memref<8x34928xf32, #tpu.memory_space<vmem>>, vector<8x34928xf32>
    %mul3A_23 = arith.mulf %select_n3A, %get3A_22 : vector<8x34928xf32>
    %reduce_sum3A_24 = arith.constant dense<0.000000e+00> : vector<8xf32>
    %reduce_sum3A_25 = vector.multi_reduction <add>, %mul3A_23, %reduce_sum3A_24 [1] : vector<8x34928xf32> to vector<8xf32>
    %broadcast_in_dim3A_26 = vector.shape_cast %reduce_sum3A_25 : vector<8xf32> to vector<8x1xf32>
    %get3A_27 = arith.constant 0 : index
    %get3A_28 = arith.constant 0 : index
    %get3A_29 = vector.load %arg2[%get3A_27, %get3A_28] : memref<8x8732xf32, #tpu.memory_space<vmem>>, vector<8x8732xf32>
    %neg3A = arith.constant 0.000000e+00 : f32
    %neg3A_30 = vector.broadcast %neg3A : f32 to vector<8x8732xf32>
    %neg3A_31 = arith.subf %neg3A_30, %get3A_29 : vector<8x8732xf32>
    %neg3A_32 = arith.constant 0.000000e+00 : f32
    %neg3A_33 = vector.broadcast %neg3A_32 : f32 to vector<8x8732xf32>
    %neg3A_34 = arith.subf %neg3A_33, %neg3A_31 : vector<8x8732xf32>
    %jit3A = arith.constant 0.000000e+00 : f32
    %broadcast_in_dim3A_35 = vector.broadcast %jit3A : f32 to vector<8x8732xf32>
    %select_n3A_36 = arith.select %gt3A_3, %broadcast_in_dim3A_35, %neg3A_34 : vector<8x8732xi1>, vector<8x8732xf32>
    %bitcast_convert_type3A = tpu.bitcast %select_n3A_36 : vector<8x8732xf32> -> vector<8x8732xi32>
    %ge3A = arith.constant 0 : i32
    %ge3A_37 = vector.broadcast %ge3A : i32 to vector<8x8732xi32>
    %ge3A_38 = arith.cmpi sge, %bitcast_convert_type3A, %ge3A_37 : vector<8x8732xi32>
    %sub3A_39 = arith.constant -2147483648 : i32
    %sub3A_40 = vector.broadcast %sub3A_39 : i32 to vector<8x8732xi32>
    %sub3A_41 = arith.subi %sub3A_40, %bitcast_convert_type3A : vector<8x8732xi32>
    %select_n3A_42 = arith.select %ge3A_38, %bitcast_convert_type3A, %sub3A_41 : vector<8x8732xi1>, vector<8x8732xi32>
    %convert_element_type3A_43 = arith.extui %gt3A_3 : vector<8x8732xi1> to vector<8x8732xi32>
    %reduce_sum3A_44 = arith.constant dense<0> : vector<8xi32>
    %reduce_sum3A_45 = vector.multi_reduction <add>, %convert_element_type3A_43, %reduce_sum3A_44 [1] : vector<8x8732xi32> to vector<8xi32>
    %broadcast_in_dim3A_46 = vector.shape_cast %reduce_sum3A_45 : vector<8xi32> to vector<8x1xi32>
    %mul3A_47 = arith.constant 3 : i32
    %mul3A_48 = vector.broadcast %mul3A_47 : i32 to vector<8x1xi32>
    %mul3A_49 = arith.muli %mul3A_48, %broadcast_in_dim3A_46 : vector<8x1xi32>
    %min3A = arith.constant 8732 : i32
    %min3A_50 = vector.broadcast %min3A : i32 to vector<8x1xi32>
    %min3A_51 = arith.minsi %mul3A_49, %min3A_50 : vector<8x1xi32>
    %broadcast_in_dim3A_52 = arith.constant -2147483648 : i32
    %broadcast_in_dim3A_53 = vector.broadcast %broadcast_in_dim3A_52 : i32 to vector<8x1xi32>
    %broadcast_in_dim3A_54 = arith.constant 2147483647 : i32
    %broadcast_in_dim3A_55 = vector.broadcast %broadcast_in_dim3A_54 : i32 to vector<8x1xi32>
    %scan3A = arith.constant 0 : i32
    %scan3A_56 = arith.constant 32 : i32
    %scan3A_57 = arith.addi %scan3A, %scan3A_56 : i32
    %scan3A_58 = arith.constant 1 : i32
    %scan3A_59:2 = scf.for %scan3A_125 = %scan3A to %scan3A_57 step %scan3A_58 iter_args(%scan3A_126 = %broadcast_in_dim3A_53, %scan3A_127 = %broadcast_in_dim3A_55) -> (vector<8x1xi32>, vector<8x1xi32>)  : i32 {
      %sub3A_128 = arith.subi %scan3A_127, %scan3A_126 : vector<8x1xi32>
      %shift_right_logical3A = arith.constant 1 : i32
      %shift_right_logical3A_129 = vector.broadcast %shift_right_logical3A : i32 to vector<8x1xi32>
      %shift_right_logical3A_130 = arith.shrui %sub3A_128, %shift_right_logical3A_129 : vector<8x1xi32>
      %add3A_131 = arith.addi %scan3A_126, %shift_right_logical3A_130 : vector<8x1xi32>
      %le3A = vector.broadcast %add3A_131 : vector<8x1xi32> to vector<8x8732xi32>
      %le3A_132 = arith.cmpi sle, %select_n3A_42, %le3A : vector<8x8732xi32>
      %convert_element_type3A_133 = arith.extui %le3A_132 : vector<8x8732xi1> to vector<8x8732xi32>
      %reduce_sum3A_134 = arith.constant dense<0> : vector<8xi32>
      %reduce_sum3A_135 = vector.multi_reduction <add>, %convert_element_type3A_133, %reduce_sum3A_134 [1] : vector<8x8732xi32> to vector<8xi32>
      %broadcast_in_dim3A_136 = vector.shape_cast %reduce_sum3A_135 : vector<8xi32> to vector<8x1xi32>
      %ge3A_137 = arith.cmpi sge, %broadcast_in_dim3A_136, %min3A_51 : vector<8x1xi32>
      %add3A_138 = arith.constant 1 : i32
      %add3A_139 = vector.broadcast %add3A_138 : i32 to vector<8x1xi32>
      %add3A_140 = arith.addi %add3A_131, %add3A_139 : vector<8x1xi32>
      %select_n3A_141 = arith.select %ge3A_137, %scan3A_126, %add3A_140 : vector<8x1xi1>, vector<8x1xi32>
      %select_n3A_142 = arith.select %ge3A_137, %add3A_131, %scan3A_127 : vector<8x1xi1>, vector<8x1xi32>
      scf.yield %select_n3A_141, %select_n3A_142 : vector<8x1xi32>, vector<8x1xi32>
    }
    %lt3A_60 = vector.broadcast %scan3A_59#1 : vector<8x1xi32> to vector<8x8732xi32>
    %lt3A_61 = arith.cmpi slt, %select_n3A_42, %lt3A_60 : vector<8x8732xi32>
    %convert_element_type3A_62 = arith.extui %lt3A_61 : vector<8x8732xi1> to vector<8x8732xi32>
    %reduce_sum3A_63 = arith.constant dense<0> : vector<8xi32>
    %reduce_sum3A_64 = vector.multi_reduction <add>, %convert_element_type3A_62, %reduce_sum3A_63 [1] : vector<8x8732xi32> to vector<8xi32>
    %broadcast_in_dim3A_65 = vector.shape_cast %reduce_sum3A_64 : vector<8xi32> to vector<8x1xi32>
    %not3A = arith.constant dense<true> : vector<8x8732xi1>
    %not3A_66 = arith.xori %gt3A_3, %not3A : vector<8x8732xi1>
    %and3A = arith.andi %lt3A_61, %not3A_66 : vector<8x8732xi1>
    %jit3A_67 = arith.constant 0.000000e+00 : f32
    %broadcast_in_dim3A_68 = vector.broadcast %jit3A_67 : f32 to vector<8x8732xf32>
    %select_n3A_69 = arith.select %and3A, %neg3A_31, %broadcast_in_dim3A_68 : vector<8x8732xi1>, vector<8x8732xf32>
    %reduce_sum3A_70 = arith.constant dense<0.000000e+00> : vector<8xf32>
    %reduce_sum3A_71 = vector.multi_reduction <add>, %select_n3A_69, %reduce_sum3A_70 [1] : vector<8x8732xf32> to vector<8xf32>
    %broadcast_in_dim3A_72 = vector.shape_cast %reduce_sum3A_71 : vector<8xf32> to vector<8x1xf32>
    %ge3A_73 = arith.constant 0 : i32
    %ge3A_74 = vector.broadcast %ge3A_73 : i32 to vector<8x1xi32>
    %ge3A_75 = arith.cmpi sge, %scan3A_59#1, %ge3A_74 : vector<8x1xi32>
    %sub3A_76 = arith.constant -2147483648 : i32
    %sub3A_77 = vector.broadcast %sub3A_76 : i32 to vector<8x1xi32>
    %sub3A_78 = arith.subi %sub3A_77, %scan3A_59#1 : vector<8x1xi32>
    %select_n3A_79 = arith.select %ge3A_75, %scan3A_59#1, %sub3A_78 : vector<8x1xi1>, vector<8x1xi32>
    %bitcast_convert_type3A_80 = tpu.bitcast %select_n3A_79 : vector<8x1xi32> -> vector<8x1xf32>
    %sub3A_81 = arith.subi %min3A_51, %broadcast_in_dim3A_65 : vector<8x1xi32>
    %convert_element_type3A_82 = arith.sitofp %sub3A_81 : vector<8x1xi32> to vector<8x1xf32>
    %neg3A_83 = arith.constant 0.000000e+00 : f32
    %neg3A_84 = vector.broadcast %neg3A_83 : f32 to vector<8x1xf32>
    %neg3A_85 = arith.subf %neg3A_84, %bitcast_convert_type3A_80 : vector<8x1xf32>
    %mul3A_86 = arith.mulf %convert_element_type3A_82, %neg3A_85 : vector<8x1xf32>
    %add3A = arith.addf %broadcast_in_dim3A_72, %mul3A_86 : vector<8x1xf32>
    %gt3A_87 = arith.constant 0 : i32
    %gt3A_88 = vector.broadcast %gt3A_87 : i32 to vector<8x1xi32>
    %gt3A_89 = arith.cmpi sgt, %min3A_51, %gt3A_88 : vector<8x1xi32>
    %jit3A_90 = arith.constant 0.000000e+00 : f32
    %broadcast_in_dim3A_91 = vector.broadcast %jit3A_90 : f32 to vector<8x1xf32>
    %select_n3A_92 = arith.select %gt3A_89, %add3A, %broadcast_in_dim3A_91 : vector<8x1xi1>, vector<8x1xf32>
    %mul3A_93 = arith.mulf %neg3A_31, %convert_element_type3A_4 : vector<8x8732xf32>
    %reduce_sum3A_94 = arith.constant dense<0.000000e+00> : vector<8xf32>
    %reduce_sum3A_95 = vector.multi_reduction <add>, %mul3A_93, %reduce_sum3A_94 [1] : vector<8x8732xf32> to vector<8xf32>
    %broadcast_in_dim3A_96 = vector.shape_cast %reduce_sum3A_95 : vector<8xf32> to vector<8x1xf32>
    %add3A_97 = arith.addf %broadcast_in_dim3A_96, %select_n3A_92 : vector<8x1xf32>
    %iota3A = tpu.iota {dimensions = array<i32: 1>} : vector<8x128xi32>
    %eq3A = arith.constant 0 : i32
    %eq3A_98 = vector.broadcast %eq3A : i32 to vector<8x128xi32>
    %eq3A_99 = arith.cmpi eq, %iota3A, %eq3A_98 : vector<8x128xi32>
    %jit3A_100 = arith.constant 0.000000e+00 : f32
    %broadcast_in_dim3A_101 = vector.shape_cast %broadcast_in_dim3A_26 : vector<8x1xf32> to vector<8x1xf32>
    %broadcast_in_dim3A_102 = vector.broadcast %broadcast_in_dim3A_101 : vector<8x1xf32> to vector<8x128xf32>
    %broadcast_in_dim3A_103 = vector.broadcast %jit3A_100 : f32 to vector<8x128xf32>
    %select_n3A_104 = arith.select %eq3A_99, %broadcast_in_dim3A_102, %broadcast_in_dim3A_103 : vector<8x128xi1>, vector<8x128xf32>
    %eq3A_105 = arith.constant 1 : i32
    %eq3A_106 = vector.broadcast %eq3A_105 : i32 to vector<8x128xi32>
    %eq3A_107 = arith.cmpi eq, %iota3A, %eq3A_106 : vector<8x128xi32>
    %jit3A_108 = arith.constant 0.000000e+00 : f32
    %broadcast_in_dim3A_109 = vector.shape_cast %add3A_97 : vector<8x1xf32> to vector<8x1xf32>
    %broadcast_in_dim3A_110 = vector.broadcast %broadcast_in_dim3A_109 : vector<8x1xf32> to vector<8x128xf32>
    %broadcast_in_dim3A_111 = vector.broadcast %jit3A_108 : f32 to vector<8x128xf32>
    %select_n3A_112 = arith.select %eq3A_107, %broadcast_in_dim3A_110, %broadcast_in_dim3A_111 : vector<8x128xi1>, vector<8x128xf32>
    %add3A_113 = arith.addf %select_n3A_104, %select_n3A_112 : vector<8x128xf32>
    %eq3A_114 = arith.constant 2 : i32
    %eq3A_115 = vector.broadcast %eq3A_114 : i32 to vector<8x128xi32>
    %eq3A_116 = arith.cmpi eq, %iota3A, %eq3A_115 : vector<8x128xi32>
    %jit3A_117 = arith.constant 0.000000e+00 : f32
    %broadcast_in_dim3A_118 = vector.shape_cast %broadcast_in_dim3A : vector<8x1xf32> to vector<8x1xf32>
    %broadcast_in_dim3A_119 = vector.broadcast %broadcast_in_dim3A_118 : vector<8x1xf32> to vector<8x128xf32>
    %broadcast_in_dim3A_120 = vector.broadcast %jit3A_117 : f32 to vector<8x128xf32>
    %select_n3A_121 = arith.select %eq3A_116, %broadcast_in_dim3A_119, %broadcast_in_dim3A_120 : vector<8x128xi1>, vector<8x128xf32>
    %add3A_122 = arith.addf %add3A_113, %select_n3A_121 : vector<8x128xf32>
    %swap3A = arith.constant 0 : index
    %swap3A_123 = arith.constant 0 : index
    %swap3A_124 = vector.load %arg6[%swap3A, %swap3A_123] : memref<8x128xf32, #tpu.memory_space<vmem>>, vector<8x128xf32>
    tpu.vector_store %arg6[%swap3A, %swap3A_123], %add3A_122 {strides = array<i32>} : memref<8x128xf32, #tpu.memory_space<vmem>>, vector<8x128xf32>,
    return
  }
  func.func @transform_0(%arg0: i32) -> (i32, i32) {
    %c0_i32 = arith.constant 0 : i32
    %c0_i32_0 = arith.constant 0 : i32
    return %arg0, %c0_i32 : i32, i32
  }
  func.func @transform_1(%arg0: i32) -> (i32, i32) {
    %c0_i32 = arith.constant 0 : i32
    %c0_i32_0 = arith.constant 0 : i32
    return %arg0, %c0_i32 : i32, i32
  }
  func.func @transform_2(%arg0: i32) -> (i32, i32) {
    %c0_i32 = arith.constant 0 : i32
    %c0_i32_0 = arith.constant 0 : i32
    return %arg0, %c0_i32 : i32, i32
  }
  func.func @transform_3(%arg0: i32) -> (i32, i32) {
    %c0_i32 = arith.constant 0 : i32
    %c0_i32_0 = arith.constant 0 : i32
    return %arg0, %c0_i32 : i32, i32
  }
  func.func @transform_4(%arg0: i32) -> (i32, i32) {
    %c0_i32 = arith.constant 0 : i32
    %c0_i32_0 = arith.constant 0 : i32
    return %arg0, %c0_i32 : i32, i32
  }
  func.func @transform_5(%arg0: i32) -> (i32, i32) {
    %c0_i32 = arith.constant 0 : i32
    %c0_i32_0 = arith.constant 0 : i32
    return %arg0, %c0_i32 : i32, i32
  }
}

</mosaic_0001>

<sc_bundles>
// kernel: kernel.4.cloned.1.call-start
scs
__scs_entry_jumppad:
0x0: {  	(pc) =	sbr.rel $0x88, $3  }
0x1: {  	(tag) =	ssettag $0x0;
	lr =	simm.s32 $0x1  }
0x2: {  	[smem:$0x3F9D] =	sst lr;
	_ =	strace $0xD0000000  }
0x3: {  	_ = 	snop  }
0x4: {  	_ = 	snop  }
0x5: {  	_ = 	snop  }
0x6: {  	_ = 	snop  }
0x7: {  	_ = 	snop  }
__scs_overlays_trampoline_lowered:
0x8: {  	[smem:$0x3FAC] =	sst s0  }
0x9: {  	[smem:$0x3FAD] =	sst s1  }
0xa: {  	[smem:$0x3FAE] =	sst s2  }
0xb: {  	[smem:$0x3FAF] =	sst s3  }
0xc: {  	[smem:$0x3FB0] =	sst s4  }
0xd: {  	[smem:$0x3FB1] =	sst s5  }
0xe: {  	[smem:$0x3FB2] =	sst s6  }
0xf: {  	[smem:$0x3FB3] =	sst s7  }
0x10: {  	[smem:$0x3FB4] =	sst s8  }
0x11: {  	[smem:$0x3FB5] =	sst s9;
	s0 =	simm.s32 @!p0 $0x0  }
0x12: {  	s1 =	sld [smem:$0x3F9B];
	s0 =	simm.s32 @p0 $0x1  }
0x13: {  	[smem:$0x3FB6] =	sst s0;
	s0 =	simm.s32 @!p1 $0x0  }
0x14: {  	s2 =	sld [smem:$0x3F9A];
	s0 =	simm.s32 @p1 $0x1  }
0x15: {  	[smem:$0x3FB7] =	sst s0;
	s0 =	simm.s32 @!p2 $0x0  }
0x16: {  	s3 =	sld [smem:$0x3FDB];
	s0 =	simm.s32 @p2 $0x1  }
0x17: {  	s4 =	simm.s32 $0x1BF5;
	[smem:$0x3FB9] =	sst s0  }
0x18: {  	s0 =	sld [smem:$0x3F9C];
	_ =	swait.ge [sflag:s4], $0x0  }
0x19: {  	s7 =	sld [smem:$0x3F9D]  }
0x1a: {  	s8 =	sadd.s32 $0xFFFFE003, lr  }
0x1b: {  	s9 =	sadd.s32 $0xFFFFFEF7, lr;
	s5 =	simm.s32 $0xFFFFFFFF;
	p2 =	slt.u32 s8, $0xFFFFF086  }
0x1c: {  	p1 =	slt.u32 s9, $0xF7A;
	s5 =	simm.s32 @!p2 $0x0  }
0x1d: {  	s5 =	simm.s32 @p1 $0x1;
	p0 =	seq.s32 s7, s2  }
0x1e: {  	s7 =	smul.u32 @!p0 $0xF7A, s2;
	p2 =	seq.s32 @!p0 s5, $0x0  }
0x1f: {  	s9 =	smul.u32 $0xF7A, s1;
	s8 =	simm.s32 @!p0 $0x1BF5;
	p2 =	por !p2, p0  }
0x20: {  	[sflag:s8] =	ssyncset.s32 @!p0 $0xFFFFF086;
	s6 =	sadd.s32 @!p0 s3, s7;
	s7 =	simm.s32 @!p0 $0x108  }
0x21: {  	s3 =	sadd.s32 s3, s9;
	s6 =	sadd.s32 @!p0 $0x88, s6;
	s7 =	simm.s32 @p2 $0x1082  }
0x22: {  	[simem:s7], [sflag:s8] =	dma.local @!p0 [hbm:s6], $0xF7A  }
0x23: {  	s9 =	sor.u32 $0xD0000000, s2;
	s6 =	simm.s32 $0x108;
	_ =	swait.ge @!p0 [sflag:s8], $0x0  }
0x24: {  	s3 =	sadd.s32 $0x88, s3;
	s6 =	simm.s32 @!p1 $0x1082;
	[sflag:s4] =	ssyncset.s32 $0xFFFFF086  }
0x25: {  	[simem:s6], [sflag:s4] =	dma.local [hbm:s3], $0xF7A  }
0x26: {  	[smem:$0x3F9D] =	sst s1;
	(tag) =	ssettag s2;
	_ =	strace s9  }
0x27: {  	s1 =	sld [smem:$0x3FAD]  }
0x28: {  	s2 =	sld [smem:$0x3FAE]  }
0x29: {  	s4 =	sld [smem:$0x3FB0]  }
0x2a: {  	p0 =	seq.s32 s5, $0x0;
	s5 =	sld [smem:$0x3FB1]  }
0x2b: {  	s6 =	sld [smem:$0x3FB2]  }
0x2c: {  	s7 =	sld [smem:$0x3FB3]  }
0x2d: {  	s3 =	simm.s32 $0x108;
	s8 =	sld [smem:$0x3FB4]  }
0x2e: {  	s3 =	simm.s32 @!p0 $0x1082;
	s9 =	sld [smem:$0x3FB5]  }
0x2f: {  	lr =	sadd.s32 s0, s3;
	s0 =	sld [smem:$0x3FAC]  }
0x30: {  	s3 =	sld [smem:$0x3FAF]  }
0x31: {  	[smem:$0x3FB8] =	sst s10  }
0x32: {  	s10 =	sld [smem:$0x3FB6];
	_ =	sdelay $0x3  }
0x33: {  	p0 =	seq.s32 s10, $0x1;
	s10 =	sld [smem:$0x3FB8];
	_ =	sdelay $0x3  }
0x34: {  	[smem:$0x3FB8] =	sst s10  }
0x35: {  	s10 =	sld [smem:$0x3FB7];
	_ =	sdelay $0x3  }
0x36: {  	p1 =	seq.s32 s10, $0x1;
	s10 =	sld [smem:$0x3FB8];
	_ =	sdelay $0x3  }
0x37: {  	[smem:$0x3FB8] =	sst s10  }
0x38: {  	s10 =	sld [smem:$0x3FB9]  }
0x39: {  	_ = 	snop;
	(pc) =	sbr.ind lr, $3  }
0x3a: {  	_ = 	snop  }
0x3b: {  	_ = 	snop  }
0x3c: {  	p2 =	seq.s32 s10, $0x1;
	s10 =	sld [smem:$0x3FB8]  }
0x3d: {  	_ =	shalt  }
0x3e: {  	_ =	shalt  }
0x3f: {  	_ =	shalt  }
0x40: {  	_ =	shalt  }
0x41: {  	_ =	shalt  }
0x42: {  	_ =	shalt  }
0x43: {  	_ =	shalt  }
0x44: {  	_ =	shalt  }
0x45: {  	_ =	shalt  }
0x46: {  	_ =	shalt  }
0x47: {  	_ =	shalt  }
0x48: {  	_ =	shalt  }
0x49: {  	_ =	shalt  }
0x4a: {  	_ =	shalt  }
0x4b: {  	_ =	shalt  }
0x4c: {  	_ =	shalt  }
0x4d: {  	_ =	shalt  }
0x4e: {  	_ =	shalt  }
0x4f: {  	_ =	shalt  }
0x50: {  	_ =	shalt  }
0x51: {  	_ =	shalt  }
0x52: {  	_ =	shalt  }
0x53: {  	_ =	shalt  }
0x54: {  	_ =	shalt  }
0x55: {  	_ =	shalt  }
0x56: {  	_ =	shalt  }
0x57: {  	_ =	shalt  }
0x58: {  	_ =	shalt  }
0x59: {  	_ =	shalt  }
0x5a: {  	_ =	shalt  }
0x5b: {  	_ =	shalt  }
0x5c: {  	_ =	shalt  }
0x5d: {  	_ =	shalt  }
0x5e: {  	_ =	shalt  }
0x5f: {  	_ =	shalt  }
0x60: {  	_ =	shalt  }
0x61: {  	_ =	shalt  }
0x62: {  	_ =	shalt  }
0x63: {  	_ =	shalt  }
0x64: {  	_ =	shalt  }
0x65: {  	_ =	shalt  }
0x66: {  	_ =	shalt  }
0x67: {  	_ =	shalt  }
0x68: {  	_ =	shalt  }
0x69: {  	_ =	shalt  }
0x6a: {  	_ =	shalt  }
0x6b: {  	_ =	shalt  }
0x6c: {  	_ =	shalt  }
0x6d: {  	_ =	shalt  }
0x6e: {  	_ =	shalt  }
0x6f: {  	_ =	shalt  }
0x70: {  	_ =	shalt  }
0x71: {  	_ =	shalt  }
0x72: {  	_ =	shalt  }
0x73: {  	_ =	shalt  }
0x74: {  	_ =	shalt  }
0x75: {  	_ =	shalt  }
0x76: {  	_ =	shalt  }
0x77: {  	_ =	shalt  }
0x78: {  	_ =	shalt  }
0x79: {  	_ =	shalt  }
0x7a: {  	_ =	shalt  }
0x7b: {  	_ =	shalt  }
0x7c: {  	_ =	shalt  }
0x7d: {  	_ =	shalt  }
0x7e: {  	_ =	shalt  }
0x7f: {  	_ =	shalt  }
0x80: {  	_ =	shalt  }
0x81: {  	_ =	shalt  }
0x82: {  	_ =	shalt  }
0x83: {  	_ =	shalt  }
0x84: {  	_ =	shalt  }
0x85: {  	_ =	shalt  }
0x86: {  	_ =	shalt  }
0x87: {  	_ =	shalt  }
.Lfunc_end0:
.L_simem_size_0:
called_computation_lowered:
.L_overlay_start_0:
0x88: {  	s2 =	sld [smem:$0x3FD9]  }
0x89: {  	s3 =	sld [smem:$0x3FFE];
	_ =	sdelay $0x1  }
0x8a: {  	s1 =	srdreg.scid  }
0x8b: {  	s0 =	sand.u32 $0x1, s1  }
0x8c: {  	s16 =	sshll.u32 s0, $0xA;
	s2 =	sadd.s32 s3, s2  }
0x8d: {  	s2 =	sadd.s32 s2, s16  }
0x8e: {  	[smem:$0x3FC4] =	sst s2  }
0x8f: {  	_ = 	snop  }
0x90: {  	(tm) =	ssettm $0x1  }
0x91: {  	s17 =	sld [smem:$0x3FFB];
	_ =	sdelay $0x3  }
0x92: {  	_ =	strace s17  }
0x93: {  	s2 =	sld [smem:$0x3FFC];
	_ =	sdelay $0x3  }
0x94: {  	_ =	strace s2  }
0x95: {  	s2 =	sld [smem:$0x3FFD];
	_ =	sdelay $0x3  }
0x96: {  	_ =	strace s2  }
0x97: {  	_ =	strace $0x8FFFFFFF  }
0x98: {  	s18 =	sld [smem:$0x3FDB];
	_ =	sdelay $0x1  }
0x99: {  	s19 =	simm.s32 $_scs_section_size  }
0x9a: {  	s4 =	simm.s32 $_size__tile_overlayer_lowered;
	s5 =	simm.s32 $_tile_overlayer_lowered  }
0x9b: {  	s22 =	simm.s32 $0x1BFF;
	s21 =	sshll.u32 s5, $0x1;
	s2 =	sadd.s32 s19, s18  }
0x9c: {  	s6 =	simm.s32 $0x0;
	s20 =	sshll.u32 s4, $0x1;
	s4 =	sadd.s32 s21, s2  }
0x9d: {  	[timem:s6], [sflag:s22] =	dma.local [hbm:s4], s20  }
0x9e: {  	_ =	swait.ge [sflag:s22], s20  }
0x9f: {  	s3 =	ssub.s32 $0x0, s20;
	[sflag:s22] =	ssyncset.done $0x0  }
0xa0: {  	[sflag:s22] =	ssyncadd.s32 s3;
	_ =	sdelay $0x1  }
0xa1: {  	s23 =	simm.s32 $0x1B8B  }
0xa2: {  	_ =	swait.ge [sflag:s23], $0x1  }
0xa3: {  	[sflag:s23] =	ssyncset.done $0x0  }
0xa4: {  	s25 =	simm.s32 $0x1B8E;
	s24 =	sld [smem:$0x3FFE];
	[sflag:s23] =	ssyncadd.s32 $0xFFFFFFFF  }
0xa5: {  	s26 =	simm.s32 $execute0_lowered;
	[smem:$0x3FD2] =	sst s25  }
0xa6: {  	s4 =	sshll.u32 s26, $0x1;
	_ =	strace $0x80000046;
	[dreg:$0x1] =	wrdreg $0xFFFFFFFF  }
0xa7: {  	s28 =	simm.s32 $_size_execute0_lowered;
	s2 =	sadd.s32 s2, s4;
	[dreg:$0x0] =	wrdreg $0x0  }
0xa8: {  	s4 =	sshll.u32 s28, $0x1;
	[dreg:$0x2] =	wrdreg s2  }
0xa9: {  	[dreg:$0x3] =	wrdreg s4  }
0xaa: {  	[dreg:$0x4] =	wrdreg $0xC0  }
0xab: {  	_ =	task [dreg:s6], $0x5FFFF  }
0xac: {  	[dreg:$0x1] =	wrdreg $0xFFFFFFFF  }
0xad: {  	[dreg:$0x0] =	wrdreg $0x60  }
0xae: {  	[dreg:$0x2] =	wrdreg s24  }
0xaf: {  	[dreg:$0x3] =	wrdreg $0x9  }
0xb0: {  	_ =	task.clear_ibuf [dreg:s6], $0x4FFFF;
	_ =	strace $0x90000046  }
0xb1: {  	s29 =	simm.s32 $0x9;
	_ =	strace $0x80000048  }
0xb2: {  	_ =	swait.ge [sflag:s29], $0x1  }
0xb3: {  	[sflag:s29] =	ssyncadd.s32 $0xFFFFFFFF  }
0xb4: {  	_ =	strace $0x90000048  }
0xb5: {  	_ =	sfence  }
0xb6: {  	s30 =	sld [smem:$0x0];
	_ =	sdelay $0x2  }
0xb7: {  	s31 =	sshll.u32 s1, $0xD;
	s1 =	sshrl.u32 s1, $0x2  }
0xb8: {  	s3 =	sand.u32 $0x4000, s31;
	s1 =	sadd.s32 s1, s30  }
0xb9: {  	s0 =	sor.u32 s3, s0;
	s1 =	sshll.u32 s1, $0x11  }
0xba: {  	s0 =	sor.u32 s1, s0  }
0xbb: {  	s0 =	sadd.s32 $0x8F2B, s0  }
0xbc: {  	[sflag:s0] =	ssyncadd.remote.s32 $0x1  }
0xbd: {  	_ =	sfence.sel $0xFFFF  }
0xbe: {  	[dreg:$0x0] =	wrdreg $0xFFFFFFFF;
	(pc) =	sbr.abs _section_cstart, $3  }
0xbf: {  	[dreg:$0x1] =	wrdreg $0xFFFFFFFF  }
0xc0: {  	_ =	task.clear_ibuf [dreg:s6], $0x2FFFF;
	_ =	strace $0x9FFFFFFF  }
0xc1: {  	(tm) =	ssettm $0x7FFFFFFF  }
tec
execute0_lowered:
.L_overlay_start_1:
0x0: {  	(tag) =	ssettag $0x1  }
0x1: {  	s1 =	srdreg.scid;
	s0 =	stileid.u32  }
0x2: {  	s4 =	rddreg [dreg:$0x0];
	s2 =	simm.s32 $0x0;
	s9 =	simm.s32 $0x8880  }
0x3: {  	s10 =	simm.s32 $0x8870;
	s3 =	sand.u32 $0x1, s1;
	s30 =	sshll.u32 s0, $0x1  }
0x4: {  	s11 =	simm.s32 $0x11100;
	s12 =	simm.s32 $0x1;
	s5 =	sor.u32 s3, s30  }
0x5: {  	s13 =	simm.s32 $0x0;
	[smem:$0x7FF] =	sst s2;
	s5 =	smul.u32 $0x110E, s5  }
0x6: {  	s1 =	rddreg [dreg:$0x1];
	s6 =	ssub.s32 $0x2, s3;
	_ =	strace $0x80000047  }
0x7: {  	s3 =	sadd.s32 $0x1800, s4;
	s31 =	sshrl.u32 s6, $0x1;
	s7 =	sadd.s32 s5, s4  }
0x8: {  	s8 =	ssub.s32 s6, s31;
	s4 =	sadd.s32 $0x2F0000, s7;
	s5 =	sadd.s32 $0x2CDE00, s7  }
0x9: {  	s6 =	sadd.s32 $0x312200, s7;
	s7 =	smax.u32 s8, $0x1;
	s8 =	simm.s32 $0x2  }
.LBB2_1:
0xa: {  	[tilespmem:s2], [sflag:$0x2] =	stream.linear.gather [hbm4b:s4+s2], $0x8870, $0x38;
	[tilespmem:$0x19980] =	vst v63  }
0xb: {  	_ =	swait.ge [sflag:s8], $0x8870  }
0xc: {  	[sflag:s8] =	ssyncset.done $0x0  }
0xd: {  	[sflag:s8] =	ssyncadd.s32 $0xFFFF7790  }
0xe: {  	[tilespmem:s9], [sflag:$0x2] =	stream.linear.gather [hbm4b:s5+s2], $0x8870, $0x38;
	[tilespmem:$0x19980] =	vst v63  }
0xf: {  	_ =	swait.ge [sflag:s8], $0x8870  }
0x10: {  	[sflag:s8] =	ssyncset.done $0x0  }
0x11: {  	s14 =	simm.s32 $0x0;
	s15 =	simm.s32 $0x40;
	[sflag:s8] =	ssyncadd.s32 $0xFFFF7790  }
.LBB2_2:
0x12: {  	p0 =	sne.s32 s15, $0x22180;
	v0 =	vld [tilespmem:s14+$0x0];
	_ =	sdelay $0x1  }
0x13: {  	v1 =	vld [tilespmem:s14+$0x8880];
	_ =	sdelay $0x1  }
.Ltmp0:
0x14: {  	(pc) =	sbr.rel @p0 .LBB2_2-.Ltmp0, $3  }
0x15: {  	v0 =	vmul.u32 $0x221C, v0;
	_ =	sdelay $0x1  }
0x16: {  	v0 =	vadd.s32 v1, v0  }
0x17: {  	[tilespmem:s14+$0x0] =	vst v0;
	s14 =	sshra.s32 s15, $0x2;
	s15 =	sadd.s32 $0x40, s15  }
0x18: {  	v0 =	vld [tilespmem:s14+$0x0];
	_ =	sdelay $0x1  }
0x19: {  	v1 =	vld [tilespmem:s14+$0x8880];
	_ =	sdelay $0x2  }
0x1a: {  	v0 =	vmul.u32 $0x221C, v0;
	_ =	sdelay $0x1  }
0x1b: {  	v0 =	vadd.s32 v1, v0  }
0x1c: {  	[tilespmem:s14+$0x0] =	vst v0  }
0x1d: {  	[tilespmem:s11], [sflag:$0x1] =	stream.indirect.gather [hbm4b:s3+s10], $0x1, s2, s10, $0xb8;
	[tilespmem:$0x19980] =	vst v63  }
0x1e: {  	s13 =	sadd.s32 $0x1, s13;
	_ =	swait.ge [sflag:s12], $0x8870  }
0x1f: {  	p0 =	sne.s32 s13, s7;
	[sflag:s12] =	ssyncset.done $0x0  }
.Ltmp1:
0x20: {  	[sflag:s12] =	ssyncadd.s32 $0xFFFF7790;
	(pc) =	sbr.rel @p0 .LBB2_1-.Ltmp1, $4  }
0x21: {  	[hbm4b:s6+s2] =	stream.linear.scatter [tilespmem:s11], [sflag:$0x2], $0x8870, $0x38;
	[tilespmem:$0x19980] =	vst v63  }
0x22: {  	_ =	swait.ge [sflag:s8], $0x8870  }
0x23: {  	[sflag:s8] =	ssyncset.done $0x0  }
0x24: {  	[sflag:s8] =	ssyncadd.s32 $0xFFFF7790  }
0x25: {  	_ =	sfence.sel $0x180000  }
0x26: {  	[bflag:$0x0] =	sbarrier.arrive $0xFFFF  }
0x27: {  	p0 =	sne.s32 s0, $0x0;
	_ =	strace $0x90000047  }
0x28: {  	s0 =	sadd.s32 @!p0 $0x100000, s1;
	[bflag:$0x2] =	sbarrier.arrive $0xFFFF  }
0x29: {  	[sflag:s0] =	ssyncadd.tile.s32 @!p0 $0x1;
	_ =	shalt  }
.Lfunc_end2:
_tile_overlayer_lowered:
.L_overlay_start_2:
0x2a: {  	(tag) =	ssettag $0x2  }
0x2b: {  	s0 =	rddreg [dreg:$0x0];
	s2 =	stileid.u32  }
0x2c: {  	s1 =	rddreg [dreg:$0x1];
	p0 =	sne.s32 s2, $0x0  }
0x2d: {  	s3 =	rddreg [dreg:$0x2];
	[bflag:$0x3] =	sbarrier.arrive $0xFFFF;
	s2 =	simm.s32 @!p0 $0x1C02  }
0x2e: {  	[timem:s3], [sflag:s2] =	dma.local @!p0 [hbm:s0], s1  }
0x2f: {  	s0 =	simm.s32 @!p0 $0x2  }
0x30: {  	_ =	swait.ge @!p0 [sflag:s0], s1  }
0x31: {  	s1 =	ssub.s32 @!p0 $0x0, s1;
	[sflag:s0] =	ssyncset.done @!p0 $0x0  }
0x32: {  	[sflag:s0] =	ssyncadd.s32 @!p0 s1  }
0x33: {  	[bflag:$0x3] =	sbarrier.arrive $0xFFFF  }
0x34: {  	_ =	shalt  }

</sc_bundles>
